<compile_context>
chip_gen: v7x
topology: tpu7x:2x2x1
jax: 0.10.2.dev20260603
libtpu: 0.0.44.dev20260713+nightly
codegen_flags: <defaults>
</compile_context>

<pallas_src>
import dataclasses
import functools

import jax
import jax.numpy as jnp
from jax import lax
from jax.experimental import pallas as pl
from jax.experimental.pallas import tpu as pltpu
from jax.experimental.pallas import tpu_sc as plsc

EPS = 1e-8
NUM_CORES = 2
NUM_SUBCORES = 16
NW = NUM_CORES * NUM_SUBCORES
NPAD = 10240
GC = 80


def _prep_body(n_rows, p_ref, c_ref, t_ref, src_ref, dst_ref, s_ref, b_ref,
               tc_ref, pn_ref, cn_ref, ex_ref, fx_ref):
    scale = s_ref[0, 0]
    p = p_ref[...]
    pn = jnp.maximum(jnp.sqrt(jnp.sum(p * p, axis=1, keepdims=True)), EPS)
    pn_ref[...] = (p * (scale / pn)).astype(jnp.bfloat16)
    c = c_ref[...]
    cn = jnp.maximum(jnp.sqrt(jnp.sum(c * c, axis=1, keepdims=True)), EPS)
    n = c.shape[0]
    cn_ref[0:n, :] = (c / cn).astype(jnp.bfloat16)
    cn_ref[n:NPAD, :] = jnp.zeros((NPAD - n, c.shape[1]), jnp.bfloat16)
    t = t_ref[...]
    boost = jnp.where(t > 0, 1.0 / (t + 1.0), jnp.zeros_like(t))
    ex_ref[...] = tc_ref[0, 0] * boost + b_ref[0, 0]
    src = src_ref[...]
    dst = dst_ref[...]
    fx_ref[...] = ((dst >> 8) * n_rows + src) * 128 + (dst & 127)


def _mm_body(pn_ref, cn_ref, o_ref):
    res = lax.dot_general(
        pn_ref[...], cn_ref[...], (((1,), (1,)), ((), ())),
        preferred_element_type=jnp.float32)

    for kk in range(o_ref.shape[0]):
        ul = pltpu.bitcast(res[:, kk * 256:kk * 256 + 128], jnp.uint32)
        uh = pltpu.bitcast(res[:, kk * 256 + 128:kk * 256 + 256], jnp.uint32)
        lo = (ul + 0x8000) >> 16
        hi = (uh + 0x8000) & jnp.uint32(0xFFFF0000)
        o_ref[kk] = pltpu.bitcast(lo | hi, jnp.int32)


def _post_body(w_ref, dst_ref, ex_ref, o_ref):
    w = w_ref[...]
    sel_hi = (dst_ref[...] & 128) > 0
    bits = jnp.where(sel_hi, w & jnp.int32(-65536), w << 16)
    o_ref[...] = pltpu.bitcast(bits, jnp.float32) + ex_ref[...]


def _sc_body(epw, ng, s_hbm, fx_hbm, out_hbm, fv, vals, sem):
    wid = lax.axis_index("c") * NUM_SUBCORES + lax.axis_index("s")
    base = wid * epw

    pltpu.sync_copy(fx_hbm.at[pl.ds(base, epw)], fv)

    @pl.loop(0, ng)
    def _issue(k):
        sl = pl.ds(k * GC, GC)
        pltpu.async_copy(s_hbm.at[fv.at[sl]], vals.at[sl], sem)

    @pl.loop(0, ng)
    def _drain(k):
        pltpu.make_async_copy(
            s_hbm.at[pl.ds(0, GC)], vals.at[pl.ds(0, GC)], sem).wait()

    pltpu.sync_copy(vals, out_hbm.at[pl.ds(base, epw)])


def kernel(patient_embeds, condition_embeds, edge_index, tte, scale, bias,
           time_coeff):
    n, d = patient_embeds.shape
    e = edge_index.shape[1]
    assert d == 128 and n == 10000 and e % (NW * GC) == 0

    dst2d = edge_index[1].reshape(e // 128, 128)
    pn, cnp, ex, fx = pl.pallas_call(
        functools.partial(_prep_body, n),
        out_shape=(
            jax.ShapeDtypeStruct((n, d), jnp.bfloat16),
            jax.ShapeDtypeStruct((NPAD, d), jnp.bfloat16),
            jax.ShapeDtypeStruct((e // 128, 128), jnp.float32),
            jax.ShapeDtypeStruct((e // 128, 128), jnp.int32),
        ),
        in_specs=[
            pl.BlockSpec(memory_space=pltpu.VMEM),
            pl.BlockSpec(memory_space=pltpu.VMEM),
            pl.BlockSpec(memory_space=pltpu.VMEM),
            pl.BlockSpec(memory_space=pltpu.VMEM),
            pl.BlockSpec(memory_space=pltpu.VMEM),
            pl.BlockSpec(memory_space=pltpu.SMEM),
            pl.BlockSpec(memory_space=pltpu.SMEM),
            pl.BlockSpec(memory_space=pltpu.SMEM),
        ],
    )(patient_embeds, condition_embeds,
      tte.reshape(e // 128, 128),
      edge_index[0].reshape(e // 128, 128),
      dst2d,
      scale.reshape(1, 1).astype(jnp.float32),
      bias.reshape(1, 1).astype(jnp.float32),
      time_coeff.reshape(1, 1).astype(jnp.float32))
    fx = fx.reshape(e)

    bi, bj = 2000, 2048
    nwc = NPAD // 256
    s = pl.pallas_call(
        _mm_body,
        grid=(n // bi, NPAD // bj),
        out_shape=jax.ShapeDtypeStruct((nwc, n, d), jnp.int32),
        in_specs=[
            pl.BlockSpec((bi, d), lambda i, j: (i, 0)),
            pl.BlockSpec((bj, d), lambda i, j: (j, 0)),
        ],
        out_specs=pl.BlockSpec((bj // 256, bi, d), lambda i, j: (j, i, 0)),
    )(pn, cnp)
    s_flat = s.reshape(nwc * n * d)

    epw = e // NW
    ng = epw // GC
    mesh = plsc.VectorSubcoreMesh(core_axis_name="c", subcore_axis_name="s")
    cp = pltpu.CompilerParams()
    if "needs_layout_passes" in pltpu.CompilerParams.__dataclass_fields__:
        cp = dataclasses.replace(cp, needs_layout_passes=False)
    sc = pl.kernel(
        functools.partial(_sc_body, epw, ng),
        out_type=jax.ShapeDtypeStruct((e,), jnp.int32),
        mesh=mesh,
        scratch_types=[
            pltpu.VMEM((epw,), jnp.int32),
            pltpu.VMEM((epw,), jnp.int32),
            pltpu.SemaphoreType.DMA,
        ],
        compiler_params=cp,
    )
    words = sc(s_flat, fx)

    logits = pl.pallas_call(
        _post_body,
        out_shape=jax.ShapeDtypeStruct((e // 128, 128), jnp.float32),
        in_specs=[
            pl.BlockSpec(memory_space=pltpu.VMEM),
            pl.BlockSpec(memory_space=pltpu.VMEM),
            pl.BlockSpec(memory_space=pltpu.VMEM),
        ],
    )(words.reshape(e // 128, 128), dst2d, ex)
    return logits.reshape(e)

# --- scband reference (transcript-rebuilt; emitter-appended) ---
"""Pipeline reference for scband-time-aware-cosine-link-predictor-19198503813746 (READ-ONLY COPY).

The authoritative reference and input builder live on the scoring server;
editing this copy changes nothing except your own understanding.
"""

import jax, jax.numpy as jnp
import numpy as np

N_NODES = 10000
D_FEAT = 128
N_EDGES = 320000


def setup_inputs(seed: int = 0) -> dict:
    key = jax.random.key(seed)
    k1, k2, k3, k4 = jax.random.split(key, 4)
    patient_embeds = jax.random.normal(k1, (N_NODES, D_FEAT), dtype=jnp.float32)
    condition_embeds = jax.random.normal(k2, (N_NODES, D_FEAT), dtype=jnp.float32)
    edge_index = jax.random.randint(k3, (2, N_EDGES), 0, N_NODES, dtype=jnp.int32)
    tte = jax.random.uniform(k4, (N_EDGES,), dtype=jnp.float32)
    # learned parameters per init_kwargs (init_scale=10.0, use_bias=True)
    scale = jnp.asarray(10.0, dtype=jnp.float32)
    bias = jnp.zeros((1,), dtype=jnp.float32)
    time_coeff = jnp.asarray(1.0, dtype=jnp.float32)
    return {
        'patient_embeds': patient_embeds,
        'condition_embeds': condition_embeds,
        'edge_index': edge_index,
        'tte': tte,
        'scale': scale,
        'bias': bias,
        'time_coeff': time_coeff,
    }


def reference(patient_embeds, condition_embeds, edge_index, tte, scale, bias, time_coeff):
    eps = 1e-8
    src = jnp.take(patient_embeds, edge_index[0], axis=0)   # [E, d]
    dst = jnp.take(condition_embeds, edge_index[1], axis=0)  # [E, d]
    # F.cosine_similarity semantics: clamp each norm at eps
    src_norm = jnp.maximum(jnp.sqrt(jnp.sum(src * src, axis=1)), eps)
    dst_norm = jnp.maximum(jnp.sqrt(jnp.sum(dst * dst, axis=1)), eps)
    cos = jnp.sum(src * dst, axis=1) / (src_norm * dst_norm)
    logits = cos * scale
    boost = jnp.where(tte > 0, 1.0 / (tte + 1.0), jnp.zeros_like(tte))
    logits = logits + time_coeff * boost
    logits = logits + bias
    return logits

if __name__ == "__main__":
    import jax
    _d = setup_inputs()
    print(jax.jit(kernel)(*tuple(_d.values())))

</pallas_src>

<mosaic_0001>
#map = affine_map<(d0, d1) -> (0)>
module attributes {stable_mosaic.version = 14 : i64} {
  func.func @_sc_body(%arg0: i32, %arg1: i32, %arg2: memref<51200000xi32, #tpu.memory_space<hbm>>, %arg3: memref<320000xi32, #tpu.memory_space<hbm>>, %arg4: memref<320000xi32, #tpu.memory_space<hbm>>, %arg5: memref<10000xi32, #tpu.memory_space<vmem>>, %arg6: memref<10000xi32, #tpu.memory_space<vmem>>, %arg7: memref<!tpu.dma_semaphore, #tpu.memory_space<semaphore_mem>>) attributes {dimension_semantics = [#tpu.dimension_semantics<core_parallel>, #tpu.dimension_semantics<subcore_parallel>], iteration_bounds = array<i64: 2, 16>, scalar_prefetch = 0 : i64, scratch_operands = 3 : i64, tpu.core_type = #tpu.core_type<sc_vector_subcore>, window_params = [{transform_indices = #map}, {transform_indices = #map}, {transform_indices = #map}]} {
    %mul3A = arith.constant 16 : i32
    %mul3A_0 = arith.muli %arg0, %mul3A : i32
    %add3A = arith.addi %mul3A_0, %arg1 : i32
    %mul3A_1 = arith.constant 10000 : i32
    %mul3A_2 = arith.muli %add3A, %mul3A_1 : i32
    "tpu.region"() ({
      %run_scoped3A = tpu.sem_alloc : memref<!tpu.dma_semaphore, #tpu.memory_space<semaphore_mem>>
      %dma_start3A = tpu.memref_slice %arg3[%mul3A_2] : memref<320000xi32, #tpu.memory_space<hbm>> -> memref<10000xi32, #tpu.memory_space<hbm>>
      %dma_start3A_12 = tpu.memref_slice %arg3[%mul3A_2] : memref<320000xi32, #tpu.memory_space<hbm>> -> memref<10000xi32, #tpu.memory_space<hbm>>
      tpu.enqueue_dma source(%dma_start3A_12 : memref<10000xi32, #tpu.memory_space<hbm>>) target(%arg5 : memref<10000xi32, #tpu.memory_space<vmem>>) target_semaphore(%run_scoped3A : memref<!tpu.dma_semaphore, #tpu.memory_space<semaphore_mem>>)
      %dma_wait3A = tpu.memref_slice %arg3[%mul3A_2] : memref<320000xi32, #tpu.memory_space<hbm>> -> memref<10000xi32, #tpu.memory_space<hbm>>
      %dma_wait3A_13 = tpu.memref_slice %arg3[%mul3A_2] : memref<320000xi32, #tpu.memory_space<hbm>> -> memref<10000xi32, #tpu.memory_space<hbm>>
      tpu.wait_dma2 semaphore(%run_scoped3A : memref<!tpu.dma_semaphore, #tpu.memory_space<semaphore_mem>>) src(%dma_wait3A_13 : memref<10000xi32, #tpu.memory_space<hbm>>) dst(%arg5 : memref<10000xi32, #tpu.memory_space<vmem>>)
      tpu.yield
    }) : () -> ()
    %scan3A = arith.constant 0 : i32
    %scan3A_3 = arith.constant 125 : i32
    %scan3A_4 = arith.addi %scan3A, %scan3A_3 : i32
    %scan3A_5 = arith.constant 1 : i32
    scf.for %scan3A_12 = %scan3A to %scan3A_4 step %scan3A_5  : i32 {
      %mul3A_13 = arith.constant 1 : i32
      %mul3A_14 = arith.muli %scan3A_12, %mul3A_13 : i32
      %add3A_15 = arith.constant 0 : i32
      %add3A_16 = arith.addi %add3A_15, %mul3A_14 : i32
      %mul3A_17 = arith.constant 80 : i32
      %mul3A_18 = arith.muli %add3A_16, %mul3A_17 : i32
      %dma_start3A = tpu.memref_slice %arg6[%mul3A_18] : memref<10000xi32, #tpu.memory_space<vmem>> -> memref<80xi32, #tpu.memory_space<vmem>>
      %dma_start3A_19 = tpu.memref_slice %arg5[%mul3A_18] : memref<10000xi32, #tpu.memory_space<vmem>> -> memref<80xi32, #tpu.memory_space<vmem>>
      %dma_start3A_20 = arith.constant 0 : i32
      %dma_start3A_21 = tpu.memref_slice %arg2[%dma_start3A_20] : memref<51200000xi32, #tpu.memory_space<hbm>> -> memref<51200000xi32, #tpu.memory_space<hbm>>
      tpu.enqueue_indirect_dma source(%dma_start3A_21 : memref<51200000xi32, #tpu.memory_space<hbm>>) target(%dma_start3A : memref<80xi32, #tpu.memory_space<vmem>>) offsets(%dma_start3A_19 : memref<80xi32, #tpu.memory_space<vmem>>) semaphore(%arg7 : memref<!tpu.dma_semaphore, #tpu.memory_space<semaphore_mem>>)
    }
    %scan3A_6 = arith.constant 125 : i32
    %scan3A_7 = arith.constant 0 : i32
    %scan3A_8 = arith.constant 125 : i32
    %scan3A_9 = arith.addi %scan3A_7, %scan3A_8 : i32
    %scan3A_10 = arith.constant 1 : i32
    scf.for %scan3A_12 = %scan3A_7 to %scan3A_9 step %scan3A_10  : i32 {
      %mul3A_13 = arith.constant 1 : i32
      %mul3A_14 = arith.muli %scan3A_12, %mul3A_13 : i32
      %add3A_15 = arith.constant 0 : i32
      %add3A_16 = arith.addi %add3A_15, %mul3A_14 : i32
      %dma_wait3A = arith.constant 0 : i32
      %dma_wait3A_17 = tpu.memref_slice %arg6[%dma_wait3A] : memref<10000xi32, #tpu.memory_space<vmem>> -> memref<80xi32, #tpu.memory_space<vmem>>
      %dma_wait3A_18 = arith.constant 0 : i32
      %dma_wait3A_19 = tpu.memref_slice %arg2[%dma_wait3A_18] : memref<51200000xi32, #tpu.memory_space<hbm>> -> memref<80xi32, #tpu.memory_space<hbm>>
      %dma_wait3A_20 = arith.constant 0 : i32
      %dma_wait3A_21 = tpu.memref_slice %arg6[%dma_wait3A_20] : memref<10000xi32, #tpu.memory_space<vmem>> -> memref<80xi32, #tpu.memory_space<vmem>>
      %dma_wait3A_22 = arith.constant 0 : i32
      %dma_wait3A_23 = tpu.memref_slice %arg2[%dma_wait3A_22] : memref<51200000xi32, #tpu.memory_space<hbm>> -> memref<80xi32, #tpu.memory_space<hbm>>
      tpu.wait_dma2 semaphore(%arg7 : memref<!tpu.dma_semaphore, #tpu.memory_space<semaphore_mem>>) src(%dma_wait3A_23 : memref<80xi32, #tpu.memory_space<hbm>>) dst(%dma_wait3A_21 : memref<80xi32, #tpu.memory_space<vmem>>)
    }
    %scan3A_11 = arith.constant 125 : i32
    "tpu.region"() ({
      %run_scoped3A = tpu.sem_alloc : memref<!tpu.dma_semaphore, #tpu.memory_space<semaphore_mem>>
      %dma_start3A = tpu.memref_slice %arg4[%mul3A_2] : memref<320000xi32, #tpu.memory_space<hbm>> -> memref<10000xi32, #tpu.memory_space<hbm>>
      %dma_start3A_12 = tpu.memref_slice %arg4[%mul3A_2] : memref<320000xi32, #tpu.memory_space<hbm>> -> memref<10000xi32, #tpu.memory_space<hbm>>
      tpu.enqueue_dma source(%arg6 : memref<10000xi32, #tpu.memory_space<vmem>>) target(%dma_start3A_12 : memref<10000xi32, #tpu.memory_space<hbm>>) target_semaphore(%run_scoped3A : memref<!tpu.dma_semaphore, #tpu.memory_space<semaphore_mem>>)
      %dma_wait3A = tpu.memref_slice %arg4[%mul3A_2] : memref<320000xi32, #tpu.memory_space<hbm>> -> memref<10000xi32, #tpu.memory_space<hbm>>
      %dma_wait3A_13 = tpu.memref_slice %arg4[%mul3A_2] : memref<320000xi32, #tpu.memory_space<hbm>> -> memref<10000xi32, #tpu.memory_space<hbm>>
      tpu.wait_dma2 semaphore(%run_scoped3A : memref<!tpu.dma_semaphore, #tpu.memory_space<semaphore_mem>>) src(%arg6 : memref<10000xi32, #tpu.memory_space<vmem>>) dst(%dma_wait3A_13 : memref<10000xi32, #tpu.memory_space<hbm>>)
      tpu.yield
    }) : () -> ()
    return
  }
}

module attributes {stable_mosaic.version = 14 : i64} {
  func.func @_mm_body(%arg0: i32, %arg1: i32, %arg2: memref<2000x128xbf16, #tpu.memory_space<vmem>>, %arg3: memref<2048x128xbf16, #tpu.memory_space<vmem>>, %arg4: memref<8x2000x128xi32, #tpu.memory_space<vmem>>) attributes {dimension_semantics = [#tpu.dimension_semantics<arbitrary>, #tpu.dimension_semantics<arbitrary>], iteration_bounds = array<i64: 5, 5>, scalar_prefetch = 0 : i64, scratch_operands = 0 : i64, tpu.core_type = #tpu.core_type<tc>, window_params = [{transform_indices = @transform_0, window_bounds = array<i64: 2000, 128>}, {transform_indices = @transform_1, window_bounds = array<i64: 2048, 128>}, {transform_indices = @transform_2, window_bounds = array<i64: 8, 2000, 128>}]} {
    %get3A = arith.constant 0 : index
    %get3A_0 = arith.constant 0 : index
    %get3A_1 = vector.load %arg2[%get3A, %get3A_0] : memref<2000x128xbf16, #tpu.memory_space<vmem>>, vector<2000x128xbf16>
    %get3A_2 = arith.constant 0 : index
    %get3A_3 = arith.constant 0 : index
    %get3A_4 = vector.load %arg3[%get3A_2, %get3A_3] : memref<2048x128xbf16, #tpu.memory_space<vmem>>, vector<2048x128xbf16>
    %dot_general3A = arith.constant dense<0.000000e+00> : vector<2000x2048xf32>
    %dot_general3A_5 = tpu.matmul %get3A_1, %get3A_4, %dot_general3A {dimension_numbers = #tpu.dot_dimension_numbers<[1], [1], [0], [0], [0, 0, 1, 0], [], []>, transpose_lhs_hint = false} : vector<2000x128xbf16>, vector<2048x128xbf16>, vector<2000x2048xf32> -> vector<2000x2048xf32>
    %slice3A = vector.extract_strided_slice %dot_general3A_5 {offsets = [0, 0], sizes = [2000, 128], strides = [1, 1]} : vector<2000x2048xf32> to vector<2000x128xf32>
    %bitcast3A = tpu.bitcast %slice3A : vector<2000x128xf32> -> vector<2000x128xi32>
    %slice3A_6 = vector.extract_strided_slice %dot_general3A_5 {offsets = [0, 128], sizes = [2000, 128], strides = [1, 1]} : vector<2000x2048xf32> to vector<2000x128xf32>
    %bitcast3A_7 = tpu.bitcast %slice3A_6 : vector<2000x128xf32> -> vector<2000x128xi32>
    %add3A = arith.constant 32768 : i32
    %add3A_8 = vector.broadcast %add3A : i32 to vector<2000x128xi32>
    %add3A_9 = arith.addi %bitcast3A, %add3A_8 : vector<2000x128xi32>
    %shift_right_logical3A = arith.constant 16 : i32
    %shift_right_logical3A_10 = vector.broadcast %shift_right_logical3A : i32 to vector<2000x128xi32>
    %shift_right_logical3A_11 = arith.shrui %add3A_9, %shift_right_logical3A_10 : vector<2000x128xi32>
    %add3A_12 = arith.constant 32768 : i32
    %add3A_13 = vector.broadcast %add3A_12 : i32 to vector<2000x128xi32>
    %add3A_14 = arith.addi %bitcast3A_7, %add3A_13 : vector<2000x128xi32>
    %and3A = arith.constant -65536 : i32
    %and3A_15 = vector.broadcast %and3A : i32 to vector<2000x128xi32>
    %and3A_16 = arith.andi %add3A_14, %and3A_15 : vector<2000x128xi32>
    %or3A = arith.ori %shift_right_logical3A_11, %and3A_16 : vector<2000x128xi32>
    %bitcast3A_17 = tpu.bitcast %or3A : vector<2000x128xi32> -> vector<2000x128xi32>
    %swap3A = arith.constant 0 : index
    %swap3A_18 = arith.constant 0 : index
    %swap3A_19 = arith.constant 0 : index
    %swap3A_20 = vector.load %arg4[%swap3A, %swap3A_18, %swap3A_19] : memref<8x2000x128xi32, #tpu.memory_space<vmem>>, vector<1x2000x128xi32>
    %swap3A_21 = vector.shape_cast %swap3A_20 : vector<1x2000x128xi32> to vector<2000x128xi32>
    %swap3A_22 = vector.shape_cast %bitcast3A_17 : vector<2000x128xi32> to vector<1x2000x128xi32>
    tpu.vector_store %arg4[%swap3A, %swap3A_18, %swap3A_19], %swap3A_22 {strides = array<i32>} : memref<8x2000x128xi32, #tpu.memory_space<vmem>>, vector<1x2000x128xi32>,
    %slice3A_23 = vector.extract_strided_slice %dot_general3A_5 {offsets = [0, 256], sizes = [2000, 128], strides = [1, 1]} : vector<2000x2048xf32> to vector<2000x128xf32>
    %bitcast3A_24 = tpu.bitcast %slice3A_23 : vector<2000x128xf32> -> vector<2000x128xi32>
    %slice3A_25 = vector.extract_strided_slice %dot_general3A_5 {offsets = [0, 384], sizes = [2000, 128], strides = [1, 1]} : vector<2000x2048xf32> to vector<2000x128xf32>
    %bitcast3A_26 = tpu.bitcast %slice3A_25 : vector<2000x128xf32> -> vector<2000x128xi32>
    %add3A_27 = arith.constant 32768 : i32
    %add3A_28 = vector.broadcast %add3A_27 : i32 to vector<2000x128xi32>
    %add3A_29 = arith.addi %bitcast3A_24, %add3A_28 : vector<2000x128xi32>
    %shift_right_logical3A_30 = arith.constant 16 : i32
    %shift_right_logical3A_31 = vector.broadcast %shift_right_logical3A_30 : i32 to vector<2000x128xi32>
    %shift_right_logical3A_32 = arith.shrui %add3A_29, %shift_right_logical3A_31 : vector<2000x128xi32>
    %add3A_33 = arith.constant 32768 : i32
    %add3A_34 = vector.broadcast %add3A_33 : i32 to vector<2000x128xi32>
    %add3A_35 = arith.addi %bitcast3A_26, %add3A_34 : vector<2000x128xi32>
    %and3A_36 = arith.constant -65536 : i32
    %and3A_37 = vector.broadcast %and3A_36 : i32 to vector<2000x128xi32>
    %and3A_38 = arith.andi %add3A_35, %and3A_37 : vector<2000x128xi32>
    %or3A_39 = arith.ori %shift_right_logical3A_32, %and3A_38 : vector<2000x128xi32>
    %bitcast3A_40 = tpu.bitcast %or3A_39 : vector<2000x128xi32> -> vector<2000x128xi32>
    %swap3A_41 = arith.constant 1 : index
    %swap3A_42 = arith.constant 0 : index
    %swap3A_43 = arith.constant 0 : index
    %swap3A_44 = vector.load %arg4[%swap3A_41, %swap3A_42, %swap3A_43] : memref<8x2000x128xi32, #tpu.memory_space<vmem>>, vector<1x2000x128xi32>
    %swap3A_45 = vector.shape_cast %swap3A_44 : vector<1x2000x128xi32> to vector<2000x128xi32>
    %swap3A_46 = vector.shape_cast %bitcast3A_40 : vector<2000x128xi32> to vector<1x2000x128xi32>
    tpu.vector_store %arg4[%swap3A_41, %swap3A_42, %swap3A_43], %swap3A_46 {strides = array<i32>} : memref<8x2000x128xi32, #tpu.memory_space<vmem>>, vector<1x2000x128xi32>,
    %slice3A_47 = vector.extract_strided_slice %dot_general3A_5 {offsets = [0, 512], sizes = [2000, 128], strides = [1, 1]} : vector<2000x2048xf32> to vector<2000x128xf32>
    %bitcast3A_48 = tpu.bitcast %slice3A_47 : vector<2000x128xf32> -> vector<2000x128xi32>
    %slice3A_49 = vector.extract_strided_slice %dot_general3A_5 {offsets = [0, 640], sizes = [2000, 128], strides = [1, 1]} : vector<2000x2048xf32> to vector<2000x128xf32>
    %bitcast3A_50 = tpu.bitcast %slice3A_49 : vector<2000x128xf32> -> vector<2000x128xi32>
    %add3A_51 = arith.constant 32768 : i32
    %add3A_52 = vector.broadcast %add3A_51 : i32 to vector<2000x128xi32>
    %add3A_53 = arith.addi %bitcast3A_48, %add3A_52 : vector<2000x128xi32>
    %shift_right_logical3A_54 = arith.constant 16 : i32
    %shift_right_logical3A_55 = vector.broadcast %shift_right_logical3A_54 : i32 to vector<2000x128xi32>
    %shift_right_logical3A_56 = arith.shrui %add3A_53, %shift_right_logical3A_55 : vector<2000x128xi32>
    %add3A_57 = arith.constant 32768 : i32
    %add3A_58 = vector.broadcast %add3A_57 : i32 to vector<2000x128xi32>
    %add3A_59 = arith.addi %bitcast3A_50, %add3A_58 : vector<2000x128xi32>
    %and3A_60 = arith.constant -65536 : i32
    %and3A_61 = vector.broadcast %and3A_60 : i32 to vector<2000x128xi32>
    %and3A_62 = arith.andi %add3A_59, %and3A_61 : vector<2000x128xi32>
    %or3A_63 = arith.ori %shift_right_logical3A_56, %and3A_62 : vector<2000x128xi32>
    %bitcast3A_64 = tpu.bitcast %or3A_63 : vector<2000x128xi32> -> vector<2000x128xi32>
    %swap3A_65 = arith.constant 2 : index
    %swap3A_66 = arith.constant 0 : index
    %swap3A_67 = arith.constant 0 : index
    %swap3A_68 = vector.load %arg4[%swap3A_65, %swap3A_66, %swap3A_67] : memref<8x2000x128xi32, #tpu.memory_space<vmem>>, vector<1x2000x128xi32>
    %swap3A_69 = vector.shape_cast %swap3A_68 : vector<1x2000x128xi32> to vector<2000x128xi32>
    %swap3A_70 = vector.shape_cast %bitcast3A_64 : vector<2000x128xi32> to vector<1x2000x128xi32>
    tpu.vector_store %arg4[%swap3A_65, %swap3A_66, %swap3A_67], %swap3A_70 {strides = array<i32>} : memref<8x2000x128xi32, #tpu.memory_space<vmem>>, vector<1x2000x128xi32>,
    %slice3A_71 = vector.extract_strided_slice %dot_general3A_5 {offsets = [0, 768], sizes = [2000, 128], strides = [1, 1]} : vector<2000x2048xf32> to vector<2000x128xf32>
    %bitcast3A_72 = tpu.bitcast %slice3A_71 : vector<2000x128xf32> -> vector<2000x128xi32>
    %slice3A_73 = vector.extract_strided_slice %dot_general3A_5 {offsets = [0, 896], sizes = [2000, 128], strides = [1, 1]} : vector<2000x2048xf32> to vector<2000x128xf32>
    %bitcast3A_74 = tpu.bitcast %slice3A_73 : vector<2000x128xf32> -> vector<2000x128xi32>
    %add3A_75 = arith.constant 32768 : i32
    %add3A_76 = vector.broadcast %add3A_75 : i32 to vector<2000x128xi32>
    %add3A_77 = arith.addi %bitcast3A_72, %add3A_76 : vector<2000x128xi32>
    %shift_right_logical3A_78 = arith.constant 16 : i32
    %shift_right_logical3A_79 = vector.broadcast %shift_right_logical3A_78 : i32 to vector<2000x128xi32>
    %shift_right_logical3A_80 = arith.shrui %add3A_77, %shift_right_logical3A_79 : vector<2000x128xi32>
    %add3A_81 = arith.constant 32768 : i32
    %add3A_82 = vector.broadcast %add3A_81 : i32 to vector<2000x128xi32>
    %add3A_83 = arith.addi %bitcast3A_74, %add3A_82 : vector<2000x128xi32>
    %and3A_84 = arith.constant -65536 : i32
    %and3A_85 = vector.broadcast %and3A_84 : i32 to vector<2000x128xi32>
    %and3A_86 = arith.andi %add3A_83, %and3A_85 : vector<2000x128xi32>
    %or3A_87 = arith.ori %shift_right_logical3A_80, %and3A_86 : vector<2000x128xi32>
    %bitcast3A_88 = tpu.bitcast %or3A_87 : vector<2000x128xi32> -> vector<2000x128xi32>
    %swap3A_89 = arith.constant 3 : index
    %swap3A_90 = arith.constant 0 : index
    %swap3A_91 = arith.constant 0 : index
    %swap3A_92 = vector.load %arg4[%swap3A_89, %swap3A_90, %swap3A_91] : memref<8x2000x128xi32, #tpu.memory_space<vmem>>, vector<1x2000x128xi32>
    %swap3A_93 = vector.shape_cast %swap3A_92 : vector<1x2000x128xi32> to vector<2000x128xi32>
    %swap3A_94 = vector.shape_cast %bitcast3A_88 : vector<2000x128xi32> to vector<1x2000x128xi32>
    tpu.vector_store %arg4[%swap3A_89, %swap3A_90, %swap3A_91], %swap3A_94 {strides = array<i32>} : memref<8x2000x128xi32, #tpu.memory_space<vmem>>, vector<1x2000x128xi32>,
    %slice3A_95 = vector.extract_strided_slice %dot_general3A_5 {offsets = [0, 1024], sizes = [2000, 128], strides = [1, 1]} : vector<2000x2048xf32> to vector<2000x128xf32>
    %bitcast3A_96 = tpu.bitcast %slice3A_95 : vector<2000x128xf32> -> vector<2000x128xi32>
    %slice3A_97 = vector.extract_strided_slice %dot_general3A_5 {offsets = [0, 1152], sizes = [2000, 128], strides = [1, 1]} : vector<2000x2048xf32> to vector<2000x128xf32>
    %bitcast3A_98 = tpu.bitcast %slice3A_97 : vector<2000x128xf32> -> vector<2000x128xi32>
    %add3A_99 = arith.constant 32768 : i32
    %add3A_100 = vector.broadcast %add3A_99 : i32 to vector<2000x128xi32>
    %add3A_101 = arith.addi %bitcast3A_96, %add3A_100 : vector<2000x128xi32>
    %shift_right_logical3A_102 = arith.constant 16 : i32
    %shift_right_logical3A_103 = vector.broadcast %shift_right_logical3A_102 : i32 to vector<2000x128xi32>
    %shift_right_logical3A_104 = arith.shrui %add3A_101, %shift_right_logical3A_103 : vector<2000x128xi32>
    %add3A_105 = arith.constant 32768 : i32
    %add3A_106 = vector.broadcast %add3A_105 : i32 to vector<2000x128xi32>
    %add3A_107 = arith.addi %bitcast3A_98, %add3A_106 : vector<2000x128xi32>
    %and3A_108 = arith.constant -65536 : i32
    %and3A_109 = vector.broadcast %and3A_108 : i32 to vector<2000x128xi32>
    %and3A_110 = arith.andi %add3A_107, %and3A_109 : vector<2000x128xi32>
    %or3A_111 = arith.ori %shift_right_logical3A_104, %and3A_110 : vector<2000x128xi32>
    %bitcast3A_112 = tpu.bitcast %or3A_111 : vector<2000x128xi32> -> vector<2000x128xi32>
    %swap3A_113 = arith.constant 4 : index
    %swap3A_114 = arith.constant 0 : index
    %swap3A_115 = arith.constant 0 : index
    %swap3A_116 = vector.load %arg4[%swap3A_113, %swap3A_114, %swap3A_115] : memref<8x2000x128xi32, #tpu.memory_space<vmem>>, vector<1x2000x128xi32>
    %swap3A_117 = vector.shape_cast %swap3A_116 : vector<1x2000x128xi32> to vector<2000x128xi32>
    %swap3A_118 = vector.shape_cast %bitcast3A_112 : vector<2000x128xi32> to vector<1x2000x128xi32>
    tpu.vector_store %arg4[%swap3A_113, %swap3A_114, %swap3A_115], %swap3A_118 {strides = array<i32>} : memref<8x2000x128xi32, #tpu.memory_space<vmem>>, vector<1x2000x128xi32>,
    %slice3A_119 = vector.extract_strided_slice %dot_general3A_5 {offsets = [0, 1280], sizes = [2000, 128], strides = [1, 1]} : vector<2000x2048xf32> to vector<2000x128xf32>
    %bitcast3A_120 = tpu.bitcast %slice3A_119 : vector<2000x128xf32> -> vector<2000x128xi32>
    %slice3A_121 = vector.extract_strided_slice %dot_general3A_5 {offsets = [0, 1408], sizes = [2000, 128], strides = [1, 1]} : vector<2000x2048xf32> to vector<2000x128xf32>
    %bitcast3A_122 = tpu.bitcast %slice3A_121 : vector<2000x128xf32> -> vector<2000x128xi32>
    %add3A_123 = arith.constant 32768 : i32
    %add3A_124 = vector.broadcast %add3A_123 : i32 to vector<2000x128xi32>
    %add3A_125 = arith.addi %bitcast3A_120, %add3A_124 : vector<2000x128xi32>
    %shift_right_logical3A_126 = arith.constant 16 : i32
    %shift_right_logical3A_127 = vector.broadcast %shift_right_logical3A_126 : i32 to vector<2000x128xi32>
    %shift_right_logical3A_128 = arith.shrui %add3A_125, %shift_right_logical3A_127 : vector<2000x128xi32>
    %add3A_129 = arith.constant 32768 : i32
    %add3A_130 = vector.broadcast %add3A_129 : i32 to vector<2000x128xi32>
    %add3A_131 = arith.addi %bitcast3A_122, %add3A_130 : vector<2000x128xi32>
    %and3A_132 = arith.constant -65536 : i32
    %and3A_133 = vector.broadcast %and3A_132 : i32 to vector<2000x128xi32>
    %and3A_134 = arith.andi %add3A_131, %and3A_133 : vector<2000x128xi32>
    %or3A_135 = arith.ori %shift_right_logical3A_128, %and3A_134 : vector<2000x128xi32>
    %bitcast3A_136 = tpu.bitcast %or3A_135 : vector<2000x128xi32> -> vector<2000x128xi32>
    %swap3A_137 = arith.constant 5 : index
    %swap3A_138 = arith.constant 0 : index
    %swap3A_139 = arith.constant 0 : index
    %swap3A_140 = vector.load %arg4[%swap3A_137, %swap3A_138, %swap3A_139] : memref<8x2000x128xi32, #tpu.memory_space<vmem>>, vector<1x2000x128xi32>
    %swap3A_141 = vector.shape_cast %swap3A_140 : vector<1x2000x128xi32> to vector<2000x128xi32>
    %swap3A_142 = vector.shape_cast %bitcast3A_136 : vector<2000x128xi32> to vector<1x2000x128xi32>
    tpu.vector_store %arg4[%swap3A_137, %swap3A_138, %swap3A_139], %swap3A_142 {strides = array<i32>} : memref<8x2000x128xi32, #tpu.memory_space<vmem>>, vector<1x2000x128xi32>,
    %slice3A_143 = vector.extract_strided_slice %dot_general3A_5 {offsets = [0, 1536], sizes = [2000, 128], strides = [1, 1]} : vector<2000x2048xf32> to vector<2000x128xf32>
    %bitcast3A_144 = tpu.bitcast %slice3A_143 : vector<2000x128xf32> -> vector<2000x128xi32>
    %slice3A_145 = vector.extract_strided_slice %dot_general3A_5 {offsets = [0, 1664], sizes = [2000, 128], strides = [1, 1]} : vector<2000x2048xf32> to vector<2000x128xf32>
    %bitcast3A_146 = tpu.bitcast %slice3A_145 : vector<2000x128xf32> -> vector<2000x128xi32>
    %add3A_147 = arith.constant 32768 : i32
    %add3A_148 = vector.broadcast %add3A_147 : i32 to vector<2000x128xi32>
    %add3A_149 = arith.addi %bitcast3A_144, %add3A_148 : vector<2000x128xi32>
    %shift_right_logical3A_150 = arith.constant 16 : i32
    %shift_right_logical3A_151 = vector.broadcast %shift_right_logical3A_150 : i32 to vector<2000x128xi32>
    %shift_right_logical3A_152 = arith.shrui %add3A_149, %shift_right_logical3A_151 : vector<2000x128xi32>
    %add3A_153 = arith.constant 32768 : i32
    %add3A_154 = vector.broadcast %add3A_153 : i32 to vector<2000x128xi32>
    %add3A_155 = arith.addi %bitcast3A_146, %add3A_154 : vector<2000x128xi32>
    %and3A_156 = arith.constant -65536 : i32
    %and3A_157 = vector.broadcast %and3A_156 : i32 to vector<2000x128xi32>
    %and3A_158 = arith.andi %add3A_155, %and3A_157 : vector<2000x128xi32>
    %or3A_159 = arith.ori %shift_right_logical3A_152, %and3A_158 : vector<2000x128xi32>
    %bitcast3A_160 = tpu.bitcast %or3A_159 : vector<2000x128xi32> -> vector<2000x128xi32>
    %swap3A_161 = arith.constant 6 : index
    %swap3A_162 = arith.constant 0 : index
    %swap3A_163 = arith.constant 0 : index
    %swap3A_164 = vector.load %arg4[%swap3A_161, %swap3A_162, %swap3A_163] : memref<8x2000x128xi32, #tpu.memory_space<vmem>>, vector<1x2000x128xi32>
    %swap3A_165 = vector.shape_cast %swap3A_164 : vector<1x2000x128xi32> to vector<2000x128xi32>
    %swap3A_166 = vector.shape_cast %bitcast3A_160 : vector<2000x128xi32> to vector<1x2000x128xi32>
    tpu.vector_store %arg4[%swap3A_161, %swap3A_162, %swap3A_163], %swap3A_166 {strides = array<i32>} : memref<8x2000x128xi32, #tpu.memory_space<vmem>>, vector<1x2000x128xi32>,
    %slice3A_167 = vector.extract_strided_slice %dot_general3A_5 {offsets = [0, 1792], sizes = [2000, 128], strides = [1, 1]} : vector<2000x2048xf32> to vector<2000x128xf32>
    %bitcast3A_168 = tpu.bitcast %slice3A_167 : vector<2000x128xf32> -> vector<2000x128xi32>
    %slice3A_169 = vector.extract_strided_slice %dot_general3A_5 {offsets = [0, 1920], sizes = [2000, 128], strides = [1, 1]} : vector<2000x2048xf32> to vector<2000x128xf32>
    %bitcast3A_170 = tpu.bitcast %slice3A_169 : vector<2000x128xf32> -> vector<2000x128xi32>
    %add3A_171 = arith.constant 32768 : i32
    %add3A_172 = vector.broadcast %add3A_171 : i32 to vector<2000x128xi32>
    %add3A_173 = arith.addi %bitcast3A_168, %add3A_172 : vector<2000x128xi32>
    %shift_right_logical3A_174 = arith.constant 16 : i32
    %shift_right_logical3A_175 = vector.broadcast %shift_right_logical3A_174 : i32 to vector<2000x128xi32>
    %shift_right_logical3A_176 = arith.shrui %add3A_173, %shift_right_logical3A_175 : vector<2000x128xi32>
    %add3A_177 = arith.constant 32768 : i32
    %add3A_178 = vector.broadcast %add3A_177 : i32 to vector<2000x128xi32>
    %add3A_179 = arith.addi %bitcast3A_170, %add3A_178 : vector<2000x128xi32>
    %and3A_180 = arith.constant -65536 : i32
    %and3A_181 = vector.broadcast %and3A_180 : i32 to vector<2000x128xi32>
    %and3A_182 = arith.andi %add3A_179, %and3A_181 : vector<2000x128xi32>
    %or3A_183 = arith.ori %shift_right_logical3A_176, %and3A_182 : vector<2000x128xi32>
    %bitcast3A_184 = tpu.bitcast %or3A_183 : vector<2000x128xi32> -> vector<2000x128xi32>
    %swap3A_185 = arith.constant 7 : index
    %swap3A_186 = arith.constant 0 : index
    %swap3A_187 = arith.constant 0 : index
    %swap3A_188 = vector.load %arg4[%swap3A_185, %swap3A_186, %swap3A_187] : memref<8x2000x128xi32, #tpu.memory_space<vmem>>, vector<1x2000x128xi32>
    %swap3A_189 = vector.shape_cast %swap3A_188 : vector<1x2000x128xi32> to vector<2000x128xi32>
    %swap3A_190 = vector.shape_cast %bitcast3A_184 : vector<2000x128xi32> to vector<1x2000x128xi32>
    tpu.vector_store %arg4[%swap3A_185, %swap3A_186, %swap3A_187], %swap3A_190 {strides = array<i32>} : memref<8x2000x128xi32, #tpu.memory_space<vmem>>, vector<1x2000x128xi32>,
    return
  }
  func.func @transform_0(%arg0: i32, %arg1: i32) -> (i32, i32) {
    %c0_i32 = arith.constant 0 : i32
    %c0_i32_0 = arith.constant 0 : i32
    return %arg0, %c0_i32 : i32, i32
  }
  func.func @transform_1(%arg0: i32, %arg1: i32) -> (i32, i32) {
    %c0_i32 = arith.constant 0 : i32
    %c0_i32_0 = arith.constant 0 : i32
    return %arg1, %c0_i32 : i32, i32
  }
  func.func @transform_2(%arg0: i32, %arg1: i32) -> (i32, i32, i32) {
    %c0_i32 = arith.constant 0 : i32
    %c0_i32_0 = arith.constant 0 : i32
    return %arg1, %arg0, %c0_i32 : i32, i32, i32
  }
}

module attributes {stable_mosaic.version = 14 : i64} {
  func.func @_prep_body(%arg0: memref<10000x128xf32, #tpu.memory_space<vmem>>, %arg1: memref<10000x128xf32, #tpu.memory_space<vmem>>, %arg2: memref<2500x128xf32, #tpu.memory_space<vmem>>, %arg3: memref<2500x128xi32, #tpu.memory_space<vmem>>, %arg4: memref<2500x128xi32, #tpu.memory_space<vmem>>, %arg5: memref<1x1xf32, #tpu.memory_space<smem>>, %arg6: memref<1x1xf32, #tpu.memory_space<smem>>, %arg7: memref<1x1xf32, #tpu.memory_space<smem>>, %arg8: memref<10000x128xbf16, #tpu.memory_space<vmem>>, %arg9: memref<10240x128xbf16, #tpu.memory_space<vmem>>, %arg10: memref<2500x128xf32, #tpu.memory_space<vmem>>, %arg11: memref<2500x128xi32, #tpu.memory_space<vmem>>) attributes {dimension_semantics = [], scalar_prefetch = 0 : i64, scratch_operands = 0 : i64, tpu.core_type = #tpu.core_type<tc>} {
    %get3A = arith.constant 0 : index
    %get3A_0 = arith.constant 0 : index
    %get3A_1 = memref.load %arg5[%get3A, %get3A_0] : memref<1x1xf32, #tpu.memory_space<smem>>
    %get3A_2 = arith.constant 0 : index
    %get3A_3 = arith.constant 0 : index
    %get3A_4 = vector.load %arg0[%get3A_2, %get3A_3] : memref<10000x128xf32, #tpu.memory_space<vmem>>, vector<10000x128xf32>
    %mul3A = arith.mulf %get3A_4, %get3A_4 : vector<10000x128xf32>
    %reduce_sum3A = arith.constant dense<0.000000e+00> : vector<10000xf32>
    %reduce_sum3A_5 = vector.multi_reduction <add>, %mul3A, %reduce_sum3A [1] : vector<10000x128xf32> to vector<10000xf32>
    %broadcast_in_dim3A = vector.shape_cast %reduce_sum3A_5 : vector<10000xf32> to vector<10000x1xf32>
    %sqrt3A = math.sqrt %broadcast_in_dim3A : vector<10000x1xf32>
    %max3A = arith.constant 9.99999993E-9 : f32
    %max3A_6 = vector.broadcast %max3A : f32 to vector<10000x1xf32>
    %max3A_7 = arith.maximumf %sqrt3A, %max3A_6 : vector<10000x1xf32>
    %div3A = vector.broadcast %get3A_1 : f32 to vector<10000x1xf32>
    %div3A_8 = arith.divf %div3A, %max3A_7 : vector<10000x1xf32>
    %mul3A_9 = vector.broadcast %div3A_8 : vector<10000x1xf32> to vector<10000x128xf32>
    %mul3A_10 = arith.mulf %get3A_4, %mul3A_9 : vector<10000x128xf32>
    %convert_element_type3A = arith.truncf %mul3A_10 : vector<10000x128xf32> to vector<10000x128xbf16>
    %swap3A = arith.constant 0 : index
    %swap3A_11 = arith.constant 0 : index
    %swap3A_12 = vector.load %arg8[%swap3A, %swap3A_11] : memref<10000x128xbf16, #tpu.memory_space<vmem>>, vector<10000x128xbf16>
    tpu.vector_store %arg8[%swap3A, %swap3A_11], %convert_element_type3A {strides = array<i32>} : memref<10000x128xbf16, #tpu.memory_space<vmem>>, vector<10000x128xbf16>,
    %get3A_13 = arith.constant 0 : index
    %get3A_14 = arith.constant 0 : index
    %get3A_15 = vector.load %arg1[%get3A_13, %get3A_14] : memref<10000x128xf32, #tpu.memory_space<vmem>>, vector<10000x128xf32>
    %mul3A_16 = arith.mulf %get3A_15, %get3A_15 : vector<10000x128xf32>
    %reduce_sum3A_17 = arith.constant dense<0.000000e+00> : vector<10000xf32>
    %reduce_sum3A_18 = vector.multi_reduction <add>, %mul3A_16, %reduce_sum3A_17 [1] : vector<10000x128xf32> to vector<10000xf32>
    %broadcast_in_dim3A_19 = vector.shape_cast %reduce_sum3A_18 : vector<10000xf32> to vector<10000x1xf32>
    %sqrt3A_20 = math.sqrt %broadcast_in_dim3A_19 : vector<10000x1xf32>
    %max3A_21 = arith.constant 9.99999993E-9 : f32
    %max3A_22 = vector.broadcast %max3A_21 : f32 to vector<10000x1xf32>
    %max3A_23 = arith.maximumf %sqrt3A_20, %max3A_22 : vector<10000x1xf32>
    %div3A_24 = vector.broadcast %max3A_23 : vector<10000x1xf32> to vector<10000x128xf32>
    %div3A_25 = arith.divf %get3A_15, %div3A_24 : vector<10000x128xf32>
    %convert_element_type3A_26 = arith.truncf %div3A_25 : vector<10000x128xf32> to vector<10000x128xbf16>
    %swap3A_27 = arith.constant 0 : index
    %swap3A_28 = arith.constant 0 : index
    %swap3A_29 = vector.load %arg9[%swap3A_27, %swap3A_28] : memref<10240x128xbf16, #tpu.memory_space<vmem>>, vector<10000x128xbf16>
    tpu.vector_store %arg9[%swap3A_27, %swap3A_28], %convert_element_type3A_26 {strides = array<i32>} : memref<10240x128xbf16, #tpu.memory_space<vmem>>, vector<10000x128xbf16>,
    %broadcast_in_dim3A_30 = arith.constant 0.000000e+00 : bf16
    %broadcast_in_dim3A_31 = vector.broadcast %broadcast_in_dim3A_30 : bf16 to vector<240x128xbf16>
    %swap3A_32 = arith.constant 10000 : index
    %swap3A_33 = arith.constant 0 : index
    %swap3A_34 = vector.load %arg9[%swap3A_32, %swap3A_33] : memref<10240x128xbf16, #tpu.memory_space<vmem>>, vector<240x128xbf16>
    tpu.vector_store %arg9[%swap3A_32, %swap3A_33], %broadcast_in_dim3A_31 {strides = array<i32>} : memref<10240x128xbf16, #tpu.memory_space<vmem>>, vector<240x128xbf16>,
    %get3A_35 = arith.constant 0 : index
    %get3A_36 = arith.constant 0 : index
    %get3A_37 = vector.load %arg2[%get3A_35, %get3A_36] : memref<2500x128xf32, #tpu.memory_space<vmem>>, vector<2500x128xf32>
    %gt3A = arith.constant 0.000000e+00 : f32
    %gt3A_38 = vector.broadcast %gt3A : f32 to vector<2500x128xf32>
    %gt3A_39 = arith.cmpf ogt, %get3A_37, %gt3A_38 : vector<2500x128xf32>
    %add3A = arith.constant 1.000000e+00 : f32
    %add3A_40 = vector.broadcast %add3A : f32 to vector<2500x128xf32>
    %add3A_41 = arith.addf %get3A_37, %add3A_40 : vector<2500x128xf32>
    %div3A_42 = arith.constant 1.000000e+00 : f32
    %div3A_43 = vector.broadcast %div3A_42 : f32 to vector<2500x128xf32>
    %div3A_44 = arith.divf %div3A_43, %add3A_41 : vector<2500x128xf32>
    %broadcast_in_dim3A_45 = arith.constant 0.000000e+00 : f32
    %broadcast_in_dim3A_46 = vector.broadcast %broadcast_in_dim3A_45 : f32 to vector<2500x128xf32>
    %select_n3A = arith.select %gt3A_39, %div3A_44, %broadcast_in_dim3A_46 : vector<2500x128xi1>, vector<2500x128xf32>
    %get3A_47 = arith.constant 0 : index
    %get3A_48 = arith.constant 0 : index
    %get3A_49 = memref.load %arg7[%get3A_47, %get3A_48] : memref<1x1xf32, #tpu.memory_space<smem>>
    %mul3A_50 = vector.broadcast %get3A_49 : f32 to vector<2500x128xf32>
    %mul3A_51 = arith.mulf %mul3A_50, %select_n3A : vector<2500x128xf32>
    %get3A_52 = arith.constant 0 : index
    %get3A_53 = arith.constant 0 : index
    %get3A_54 = memref.load %arg6[%get3A_52, %get3A_53] : memref<1x1xf32, #tpu.memory_space<smem>>
    %add3A_55 = vector.broadcast %get3A_54 : f32 to vector<2500x128xf32>
    %add3A_56 = arith.addf %mul3A_51, %add3A_55 : vector<2500x128xf32>
    %swap3A_57 = arith.constant 0 : index
    %swap3A_58 = arith.constant 0 : index
    %swap3A_59 = vector.load %arg10[%swap3A_57, %swap3A_58] : memref<2500x128xf32, #tpu.memory_space<vmem>>, vector<2500x128xf32>
    tpu.vector_store %arg10[%swap3A_57, %swap3A_58], %add3A_56 {strides = array<i32>} : memref<2500x128xf32, #tpu.memory_space<vmem>>, vector<2500x128xf32>,
    %get3A_60 = arith.constant 0 : index
    %get3A_61 = arith.constant 0 : index
    %get3A_62 = vector.load %arg3[%get3A_60, %get3A_61] : memref<2500x128xi32, #tpu.memory_space<vmem>>, vector<2500x128xi32>
    %get3A_63 = arith.constant 0 : index
    %get3A_64 = arith.constant 0 : index
    %get3A_65 = vector.load %arg4[%get3A_63, %get3A_64] : memref<2500x128xi32, #tpu.memory_space<vmem>>, vector<2500x128xi32>
    %shift_right_arithmetic3A = arith.constant 8 : i32
    %shift_right_arithmetic3A_66 = vector.broadcast %shift_right_arithmetic3A : i32 to vector<2500x128xi32>
    %shift_right_arithmetic3A_67 = arith.shrsi %get3A_65, %shift_right_arithmetic3A_66 : vector<2500x128xi32>
    %mul3A_68 = arith.constant 10000 : i32
    %mul3A_69 = vector.broadcast %mul3A_68 : i32 to vector<2500x128xi32>
    %mul3A_70 = arith.muli %shift_right_arithmetic3A_67, %mul3A_69 : vector<2500x128xi32>
    %add3A_71 = arith.addi %mul3A_70, %get3A_62 : vector<2500x128xi32>
    %mul3A_72 = arith.constant 128 : i32
    %mul3A_73 = vector.broadcast %mul3A_72 : i32 to vector<2500x128xi32>
    %mul3A_74 = arith.muli %add3A_71, %mul3A_73 : vector<2500x128xi32>
    %and3A = arith.constant 127 : i32
    %and3A_75 = vector.broadcast %and3A : i32 to vector<2500x128xi32>
    %and3A_76 = arith.andi %get3A_65, %and3A_75 : vector<2500x128xi32>
    %add3A_77 = arith.addi %mul3A_74, %and3A_76 : vector<2500x128xi32>
    %swap3A_78 = arith.constant 0 : index
    %swap3A_79 = arith.constant 0 : index
    %swap3A_80 = vector.load %arg11[%swap3A_78, %swap3A_79] : memref<2500x128xi32, #tpu.memory_space<vmem>>, vector<2500x128xi32>
    tpu.vector_store %arg11[%swap3A_78, %swap3A_79], %add3A_77 {strides = array<i32>} : memref<2500x128xi32, #tpu.memory_space<vmem>>, vector<2500x128xi32>,
    return
  }
}

module attributes {stable_mosaic.version = 14 : i64} {
  func.func @_post_body(%arg0: memref<2500x128xi32, #tpu.memory_space<vmem>>, %arg1: memref<2500x128xi32, #tpu.memory_space<vmem>>, %arg2: memref<2500x128xf32, #tpu.memory_space<vmem>>, %arg3: memref<2500x128xf32, #tpu.memory_space<vmem>>) attributes {dimension_semantics = [], scalar_prefetch = 0 : i64, scratch_operands = 0 : i64, tpu.core_type = #tpu.core_type<tc>} {
    %get3A = arith.constant 0 : index
    %get3A_0 = arith.constant 0 : index
    %get3A_1 = vector.load %arg0[%get3A, %get3A_0] : memref<2500x128xi32, #tpu.memory_space<vmem>>, vector<2500x128xi32>
    %get3A_2 = arith.constant 0 : index
    %get3A_3 = arith.constant 0 : index
    %get3A_4 = vector.load %arg1[%get3A_2, %get3A_3] : memref<2500x128xi32, #tpu.memory_space<vmem>>, vector<2500x128xi32>
    %and3A = arith.constant 128 : i32
    %and3A_5 = vector.broadcast %and3A : i32 to vector<2500x128xi32>
    %and3A_6 = arith.andi %get3A_4, %and3A_5 : vector<2500x128xi32>
    %gt3A = arith.constant 0 : i32
    %gt3A_7 = vector.broadcast %gt3A : i32 to vector<2500x128xi32>
    %gt3A_8 = arith.cmpi sgt, %and3A_6, %gt3A_7 : vector<2500x128xi32>
    %and3A_9 = arith.constant -65536 : i32
    %and3A_10 = vector.broadcast %and3A_9 : i32 to vector<2500x128xi32>
    %and3A_11 = arith.andi %get3A_1, %and3A_10 : vector<2500x128xi32>
    %shift_left3A = arith.constant 16 : i32
    %shift_left3A_12 = vector.broadcast %shift_left3A : i32 to vector<2500x128xi32>
    %shift_left3A_13 = arith.shli %get3A_1, %shift_left3A_12 : vector<2500x128xi32>
    %select_n3A = arith.select %gt3A_8, %and3A_11, %shift_left3A_13 : vector<2500x128xi1>, vector<2500x128xi32>
    %bitcast3A = tpu.bitcast %select_n3A : vector<2500x128xi32> -> vector<2500x128xf32>
    %get3A_14 = arith.constant 0 : index
    %get3A_15 = arith.constant 0 : index
    %get3A_16 = vector.load %arg2[%get3A_14, %get3A_15] : memref<2500x128xf32, #tpu.memory_space<vmem>>, vector<2500x128xf32>
    %add3A = arith.addf %bitcast3A, %get3A_16 : vector<2500x128xf32>
    %swap3A = arith.constant 0 : index
    %swap3A_17 = arith.constant 0 : index
    %swap3A_18 = vector.load %arg3[%swap3A, %swap3A_17] : memref<2500x128xf32, #tpu.memory_space<vmem>>, vector<2500x128xf32>
    tpu.vector_store %arg3[%swap3A, %swap3A_17], %add3A {strides = array<i32>} : memref<2500x128xf32, #tpu.memory_space<vmem>>, vector<2500x128xf32>,
    return
  }
}

</mosaic_0001>

<sc_bundles>
// kernel: kernel.6.cloned.1.call-start
scs
__scs_entry_jumppad:
0x0: {  	(pc) =	sbr.rel $0x88, $3  }
0x1: {  	(tag) =	ssettag $0x0;
	lr =	simm.s32 $0x1  }
0x2: {  	[smem:$0x3F9A] =	sst lr;
	_ =	strace $0xD0000000  }
0x3: {  	_ = 	snop  }
0x4: {  	_ = 	snop  }
0x5: {  	_ = 	snop  }
0x6: {  	_ = 	snop  }
0x7: {  	_ = 	snop  }
__scs_overlays_trampoline_lowered:
0x8: {  	[smem:$0x3FA9] =	sst s0  }
0x9: {  	[smem:$0x3FAA] =	sst s1  }
0xa: {  	[smem:$0x3FAB] =	sst s2  }
0xb: {  	[smem:$0x3FAC] =	sst s3  }
0xc: {  	[smem:$0x3FAD] =	sst s4  }
0xd: {  	[smem:$0x3FAE] =	sst s5  }
0xe: {  	[smem:$0x3FAF] =	sst s6  }
0xf: {  	[smem:$0x3FB0] =	sst s7  }
0x10: {  	[smem:$0x3FB1] =	sst s8  }
0x11: {  	[smem:$0x3FB2] =	sst s9;
	s0 =	simm.s32 @!p0 $0x0  }
0x12: {  	s1 =	sld [smem:$0x3F98];
	s0 =	simm.s32 @p0 $0x1  }
0x13: {  	[smem:$0x3FB3] =	sst s0;
	s0 =	simm.s32 @!p1 $0x0  }
0x14: {  	s2 =	sld [smem:$0x3F97];
	s0 =	simm.s32 @p1 $0x1  }
0x15: {  	[smem:$0x3FB4] =	sst s0;
	s0 =	simm.s32 @!p2 $0x0  }
0x16: {  	s3 =	sld [smem:$0x3FDB];
	s0 =	simm.s32 @p2 $0x1  }
0x17: {  	s4 =	simm.s32 $0x1BF5;
	[smem:$0x3FB6] =	sst s0  }
0x18: {  	s0 =	sld [smem:$0x3F99];
	_ =	swait.ge [sflag:s4], $0x0  }
0x19: {  	s7 =	sld [smem:$0x3F9A]  }
0x1a: {  	s8 =	sadd.s32 $0xFFFFE003, lr  }
0x1b: {  	s9 =	sadd.s32 $0xFFFFFEF7, lr;
	s5 =	simm.s32 $0xFFFFFFFF;
	p2 =	slt.u32 s8, $0xFFFFF086  }
0x1c: {  	p1 =	slt.u32 s9, $0xF7A;
	s5 =	simm.s32 @!p2 $0x0  }
0x1d: {  	s5 =	simm.s32 @p1 $0x1;
	p0 =	seq.s32 s7, s2  }
0x1e: {  	s7 =	smul.u32 @!p0 $0xF7A, s2;
	p2 =	seq.s32 @!p0 s5, $0x0  }
0x1f: {  	s9 =	smul.u32 $0xF7A, s1;
	s8 =	simm.s32 @!p0 $0x1BF5;
	p2 =	por !p2, p0  }
0x20: {  	[sflag:s8] =	ssyncset.s32 @!p0 $0xFFFFF086;
	s6 =	sadd.s32 @!p0 s3, s7;
	s7 =	simm.s32 @!p0 $0x108  }
0x21: {  	s3 =	sadd.s32 s3, s9;
	s6 =	sadd.s32 @!p0 $0x88, s6;
	s7 =	simm.s32 @p2 $0x1082  }
0x22: {  	[simem:s7], [sflag:s8] =	dma.local @!p0 [hbm:s6], $0xF7A  }
0x23: {  	s9 =	sor.u32 $0xD0000000, s2;
	s6 =	simm.s32 $0x108;
	_ =	swait.ge @!p0 [sflag:s8], $0x0  }
0x24: {  	s3 =	sadd.s32 $0x88, s3;
	s6 =	simm.s32 @!p1 $0x1082;
	[sflag:s4] =	ssyncset.s32 $0xFFFFF086  }
0x25: {  	[simem:s6], [sflag:s4] =	dma.local [hbm:s3], $0xF7A  }
0x26: {  	[smem:$0x3F9A] =	sst s1;
	(tag) =	ssettag s2;
	_ =	strace s9  }
0x27: {  	s1 =	sld [smem:$0x3FAA]  }
0x28: {  	s2 =	sld [smem:$0x3FAB]  }
0x29: {  	s4 =	sld [smem:$0x3FAD]  }
0x2a: {  	p0 =	seq.s32 s5, $0x0;
	s5 =	sld [smem:$0x3FAE]  }
0x2b: {  	s6 =	sld [smem:$0x3FAF]  }
0x2c: {  	s7 =	sld [smem:$0x3FB0]  }
0x2d: {  	s3 =	simm.s32 $0x108;
	s8 =	sld [smem:$0x3FB1]  }
0x2e: {  	s3 =	simm.s32 @!p0 $0x1082;
	s9 =	sld [smem:$0x3FB2]  }
0x2f: {  	lr =	sadd.s32 s0, s3;
	s0 =	sld [smem:$0x3FA9]  }
0x30: {  	s3 =	sld [smem:$0x3FAC]  }
0x31: {  	[smem:$0x3FB5] =	sst s10  }
0x32: {  	s10 =	sld [smem:$0x3FB3];
	_ =	sdelay $0x3  }
0x33: {  	p0 =	seq.s32 s10, $0x1;
	s10 =	sld [smem:$0x3FB5];
	_ =	sdelay $0x3  }
0x34: {  	[smem:$0x3FB5] =	sst s10  }
0x35: {  	s10 =	sld [smem:$0x3FB4];
	_ =	sdelay $0x3  }
0x36: {  	p1 =	seq.s32 s10, $0x1;
	s10 =	sld [smem:$0x3FB5];
	_ =	sdelay $0x3  }
0x37: {  	[smem:$0x3FB5] =	sst s10  }
0x38: {  	s10 =	sld [smem:$0x3FB6]  }
0x39: {  	_ = 	snop;
	(pc) =	sbr.ind lr, $3  }
0x3a: {  	_ = 	snop  }
0x3b: {  	_ = 	snop  }
0x3c: {  	p2 =	seq.s32 s10, $0x1;
	s10 =	sld [smem:$0x3FB5]  }
0x3d: {  	_ =	shalt  }
0x3e: {  	_ =	shalt  }
0x3f: {  	_ =	shalt  }
0x40: {  	_ =	shalt  }
0x41: {  	_ =	shalt  }
0x42: {  	_ =	shalt  }
0x43: {  	_ =	shalt  }
0x44: {  	_ =	shalt  }
0x45: {  	_ =	shalt  }
0x46: {  	_ =	shalt  }
0x47: {  	_ =	shalt  }
0x48: {  	_ =	shalt  }
0x49: {  	_ =	shalt  }
0x4a: {  	_ =	shalt  }
0x4b: {  	_ =	shalt  }
0x4c: {  	_ =	shalt  }
0x4d: {  	_ =	shalt  }
0x4e: {  	_ =	shalt  }
0x4f: {  	_ =	shalt  }
0x50: {  	_ =	shalt  }
0x51: {  	_ =	shalt  }
0x52: {  	_ =	shalt  }
0x53: {  	_ =	shalt  }
0x54: {  	_ =	shalt  }
0x55: {  	_ =	shalt  }
0x56: {  	_ =	shalt  }
0x57: {  	_ =	shalt  }
0x58: {  	_ =	shalt  }
0x59: {  	_ =	shalt  }
0x5a: {  	_ =	shalt  }
0x5b: {  	_ =	shalt  }
0x5c: {  	_ =	shalt  }
0x5d: {  	_ =	shalt  }
0x5e: {  	_ =	shalt  }
0x5f: {  	_ =	shalt  }
0x60: {  	_ =	shalt  }
0x61: {  	_ =	shalt  }
0x62: {  	_ =	shalt  }
0x63: {  	_ =	shalt  }
0x64: {  	_ =	shalt  }
0x65: {  	_ =	shalt  }
0x66: {  	_ =	shalt  }
0x67: {  	_ =	shalt  }
0x68: {  	_ =	shalt  }
0x69: {  	_ =	shalt  }
0x6a: {  	_ =	shalt  }
0x6b: {  	_ =	shalt  }
0x6c: {  	_ =	shalt  }
0x6d: {  	_ =	shalt  }
0x6e: {  	_ =	shalt  }
0x6f: {  	_ =	shalt  }
0x70: {  	_ =	shalt  }
0x71: {  	_ =	shalt  }
0x72: {  	_ =	shalt  }
0x73: {  	_ =	shalt  }
0x74: {  	_ =	shalt  }
0x75: {  	_ =	shalt  }
0x76: {  	_ =	shalt  }
0x77: {  	_ =	shalt  }
0x78: {  	_ =	shalt  }
0x79: {  	_ =	shalt  }
0x7a: {  	_ =	shalt  }
0x7b: {  	_ =	shalt  }
0x7c: {  	_ =	shalt  }
0x7d: {  	_ =	shalt  }
0x7e: {  	_ =	shalt  }
0x7f: {  	_ =	shalt  }
0x80: {  	_ =	shalt  }
0x81: {  	_ =	shalt  }
0x82: {  	_ =	shalt  }
0x83: {  	_ =	shalt  }
0x84: {  	_ =	shalt  }
0x85: {  	_ =	shalt  }
0x86: {  	_ =	shalt  }
0x87: {  	_ =	shalt  }
.Lfunc_end0:
.L_simem_size_0:
called_computation_lowered:
.L_overlay_start_0:
0x88: {  	s2 =	sld [smem:$0x3FD9]  }
0x89: {  	s3 =	sld [smem:$0x3FFE];
	_ =	sdelay $0x1  }
0x8a: {  	s1 =	srdreg.scid  }
0x8b: {  	s0 =	sand.u32 $0x1, s1  }
0x8c: {  	s17 =	sshll.u32 s0, $0xA;
	s2 =	sadd.s32 s3, s2  }
0x8d: {  	s2 =	sadd.s32 s2, s17  }
0x8e: {  	[smem:$0x3FC1] =	sst s2  }
0x8f: {  	_ = 	snop  }
0x90: {  	s2 =	sld [smem:$0x3FD0];
	(tm) =	ssettm $0x1  }
0x91: {  	s18 =	sld [smem:$0x3FFB];
	_ =	sdelay $0x3  }
0x92: {  	_ =	strace s18  }
0x93: {  	s3 =	sld [smem:$0x3FFC];
	_ =	sdelay $0x3  }
0x94: {  	_ =	strace s3  }
0x95: {  	s3 =	sld [smem:$0x3FFD];
	_ =	sdelay $0x3  }
0x96: {  	_ =	strace s3  }
0x97: {  	_ =	strace $0x8FFFFFFF  }
0x98: {  	s19 =	sld [smem:$0x3FDB];
	_ =	sdelay $0x1  }
0x99: {  	s4 =	simm.s32 $_scs_section_size  }
0x9a: {  	s5 =	simm.s32 $_size__tile_overlayer_lowered;
	s6 =	simm.s32 $_tile_overlayer_lowered  }
0x9b: {  	s22 =	simm.s32 $0x1BFF;
	s21 =	sshll.u32 s6, $0x1;
	s3 =	sadd.s32 s4, s19  }
0x9c: {  	s7 =	simm.s32 $0x0;
	s20 =	sshll.u32 s5, $0x1;
	s5 =	sadd.s32 s21, s3  }
0x9d: {  	[timem:s7], [sflag:s22] =	dma.local [hbm:s5], s20  }
0x9e: {  	_ =	swait.ge [sflag:s22], s20  }
0x9f: {  	s4 =	ssub.s32 $0x0, s20;
	[sflag:s22] =	ssyncset.done $0x0  }
0xa0: {  	[sflag:s22] =	ssyncadd.s32 s4;
	_ =	sdelay $0x1  }
0xa1: {  	s23 =	simm.s32 $0x1B8B  }
0xa2: {  	_ =	swait.ge [sflag:s23], $0x1  }
0xa3: {  	[sflag:s23] =	ssyncset.done $0x0  }
0xa4: {  	s25 =	simm.s32 $0x1B8E;
	s24 =	sld [smem:$0x3FFE];
	[sflag:s23] =	ssyncadd.s32 $0xFFFFFFFF  }
0xa5: {  	s26 =	simm.s32 $execute0_lowered;
	[smem:$0x3FD2] =	sst s25  }
0xa6: {  	s5 =	sshll.u32 s26, $0x1;
	_ =	strace $0x80000046;
	[dreg:$0x1] =	wrdreg $0xFFFFFFFF  }
0xa7: {  	s28 =	simm.s32 $_size_execute0_lowered;
	s3 =	sadd.s32 s3, s5;
	[dreg:$0x0] =	wrdreg $0x0  }
0xa8: {  	s5 =	sshll.u32 s28, $0x1;
	[dreg:$0x2] =	wrdreg s3  }
0xa9: {  	[dreg:$0x3] =	wrdreg s5  }
0xaa: {  	[dreg:$0x4] =	wrdreg $0xC0  }
0xab: {  	_ =	task [dreg:s7], $0x5FFFF  }
0xac: {  	[dreg:$0x1] =	wrdreg $0xFFFFFFFF  }
0xad: {  	[dreg:$0x0] =	wrdreg $0x60  }
0xae: {  	[dreg:$0x2] =	wrdreg s24  }
0xaf: {  	[dreg:$0x3] =	wrdreg s2  }
0xb0: {  	[dreg:$0x4] =	wrdreg $0x9  }
0xb1: {  	_ =	task.clear_ibuf [dreg:s7], $0x5FFFF;
	_ =	strace $0x90000046  }
0xb2: {  	s29 =	simm.s32 $0x9;
	_ =	strace $0x80000048  }
0xb3: {  	_ =	swait.ge [sflag:s29], $0x1  }
0xb4: {  	[sflag:s29] =	ssyncadd.s32 $0xFFFFFFFF  }
0xb5: {  	_ =	strace $0x90000048  }
0xb6: {  	_ =	sfence  }
0xb7: {  	s30 =	sld [smem:$0x0];
	_ =	sdelay $0x2  }
0xb8: {  	s31 =	sshll.u32 s1, $0xD;
	s1 =	sshrl.u32 s1, $0x2  }
0xb9: {  	s3 =	sand.u32 $0x4000, s31;
	s1 =	sadd.s32 s1, s30  }
0xba: {  	s0 =	sor.u32 s3, s0;
	s1 =	sshll.u32 s1, $0x11  }
0xbb: {  	s0 =	sor.u32 s1, s0  }
0xbc: {  	s0 =	sadd.s32 $0x8F2B, s0  }
0xbd: {  	[sflag:s0] =	ssyncadd.remote.s32 $0x1  }
0xbe: {  	_ =	sfence.sel $0xFFFF  }
0xbf: {  	[dreg:$0x0] =	wrdreg $0xFFFFFFFF;
	(pc) =	sbr.abs _section_cstart, $3  }
0xc0: {  	[dreg:$0x1] =	wrdreg $0xFFFFFFFF  }
0xc1: {  	_ =	task.clear_ibuf [dreg:s7], $0x2FFFF;
	_ =	strace $0x9FFFFFFF  }
0xc2: {  	(tm) =	ssettm $0x7FFFFFFF  }
0xc3: {  	_ =	shalt  }
tec
execute0_lowered:
.L_overlay_start_1:
0x0: {  	(tag) =	ssettag $0x1  }
0x1: {  	s0 =	srdreg.scid;
	s4 =	rddreg [dreg:$0x0]  }
0x2: {  	s5 =	rddreg [dreg:$0x1];
	s1 =	stileid.u32  }
0x3: {  	s2 =	simm.s32 $0x0;
	s9 =	simm.s32 $0x1;
	s3 =	sand.u32 $0x1, s0  }
0x4: {  	s10 =	simm.s32 $0x2780;
	s11 =	simm.s32 $0x0;
	s6 =	sshll.u32 s3, $0x4  }
0x5: {  	s0 =	rddreg [dreg:$0x2];
	s7 =	ssub.s32 $0x2, s3;
	s6 =	sor.u32 s1, s6  }
0x6: {  	[smem:$0x7FF] =	sst s2;
	s31 =	sshrl.u32 s7, $0x1;
	s6 =	smul.u32 $0x4E2, s6  }
0x7: {  	_ =	strace $0x80000047;
	s3 =	sadd.s32 $0x15000, s4;
	s7 =	ssub.s32 s7, s31  }
0x8: {  	s8 =	sadd.s32 s6, s4;
	s4 =	sadd.s32 s5, s6;
	s6 =	smax.u32 s7, $0x1  }
0x9: {  	s7 =	simm.s32 $0x2;
	s5 =	sadd.s32 $0x62F800, s8;
	s8 =	simm.s32 $0x50  }
.LBB2_1:
0xa: {  	[tilespmem:s2], [sflag:$0x2] =	stream.linear.gather [hbm4b:s4+s2], $0x2710, $0x38;
	[tilespmem:$0x4F00] =	vst v63  }
0xb: {  	_ =	swait.ge [sflag:s7], $0x2710  }
0xc: {  	[sflag:s7] =	ssyncset.done $0x0  }
0xd: {  	s12 =	simm.s32 $0x0;
	[sflag:s7] =	ssyncadd.s32 $0xFFFFD8F0  }
.LBB2_2:
0xe: {  	p0 =	sne.s32 s12, $0x9B00  }
.Ltmp0:
0xf: {  	_ = 	snop;
	(pc) =	sbr.rel @p0 .LBB2_2-.Ltmp0, $4  }
0x10: {  	_ = 	snop  }
0x11: {  	s13 =	sshra.s32 s12, $0x2  }
0x12: {  	s12 =	sadd.s32 $0x140, s12;
	s14 =	sadd.s32 $0x2780, s13  }
0x13: {  	[tilespmem:s14], [sflag:$0x1] =	stream.indirect.gather [hbm4b:s3+s8], $0x1, s13, s8, $0xb8;
	[tilespmem:$0x4F00] =	vst v63  }
0x14: {  	_ =	swait.ge [sflag:s9], $0x50  }
0x15: {  	s12 =	simm.s32 $0x7C;
	[sflag:s9] =	ssyncset.done $0x0  }
.LBB2_4:
0x16: {  	p0 =	sne.s32 s12, $0x1;
	s12 =	sadd.s32 $0xFFFFFFFF, s12;
	[sflag:s9] =	ssyncadd.s32 $0xFFFFFFB0  }
.Ltmp1:
0x17: {  	(pc) =	sbr.rel @p0 .LBB2_4-.Ltmp1, $3  }
0x18: {  	_ =	sdelay $0x1  }
0x19: {  	_ =	swait.ge [sflag:s9], $0x50  }
0x1a: {  	[sflag:s9] =	ssyncset.done $0x0  }
0x1b: {  	s11 =	sadd.s32 $0x1, s11  }
0x1c: {  	p0 =	sne.s32 s11, s6  }
.Ltmp2:
0x1d: {  	[sflag:s9] =	ssyncadd.s32 $0xFFFFFFB0;
	(pc) =	sbr.rel @p0 .LBB2_1-.Ltmp2, $4  }
0x1e: {  	[hbm4b:s5+s2] =	stream.linear.scatter [tilespmem:s10], [sflag:$0x2], $0x2710, $0x38;
	[tilespmem:$0x4F00] =	vst v63  }
0x1f: {  	_ =	swait.ge [sflag:s7], $0x2710  }
0x20: {  	[sflag:s7] =	ssyncset.done $0x0  }
0x21: {  	[sflag:s7] =	ssyncadd.s32 $0xFFFFD8F0  }
0x22: {  	_ =	sfence.sel $0x180000  }
0x23: {  	[bflag:$0x0] =	sbarrier.arrive $0xFFFF  }
0x24: {  	p0 =	sne.s32 s1, $0x0;
	_ =	strace $0x90000047  }
0x25: {  	s0 =	sadd.s32 @!p0 $0x100000, s0;
	[bflag:$0x2] =	sbarrier.arrive $0xFFFF  }
0x26: {  	[sflag:s0] =	ssyncadd.tile.s32 @!p0 $0x1;
	_ =	shalt  }
.Lfunc_end2:
_tile_overlayer_lowered:
.L_overlay_start_2:
0x27: {  	(tag) =	ssettag $0x2  }
0x28: {  	s0 =	rddreg [dreg:$0x0];
	s2 =	stileid.u32  }
0x29: {  	s1 =	rddreg [dreg:$0x1];
	p0 =	sne.s32 s2, $0x0  }
0x2a: {  	s3 =	rddreg [dreg:$0x2];
	[bflag:$0x3] =	sbarrier.arrive $0xFFFF;
	s2 =	simm.s32 @!p0 $0x1C02  }
0x2b: {  	[timem:s3], [sflag:s2] =	dma.local @!p0 [hbm:s0], s1  }
0x2c: {  	s0 =	simm.s32 @!p0 $0x2  }
0x2d: {  	_ =	swait.ge @!p0 [sflag:s0], s1  }
0x2e: {  	s1 =	ssub.s32 @!p0 $0x0, s1;
	[sflag:s0] =	ssyncset.done @!p0 $0x0  }
0x2f: {  	[sflag:s0] =	ssyncadd.s32 @!p0 s1  }
0x30: {  	[bflag:$0x3] =	sbarrier.arrive $0xFFFF  }
0x31: {  	_ =	shalt  }

</sc_bundles>
